<compile_context>
chip_gen: v7x
topology: tpu7x:2x2x1
jax: 0.10.2.dev20260603
libtpu: 0.0.44.dev20260713+nightly
codegen_flags: <defaults>
</compile_context>

<pallas_src>
import functools

import jax
import jax.numpy as jnp
from jax import lax
from jax.experimental import pallas as pl
from jax.experimental.pallas import tpu as pltpu
from jax.experimental.pallas import tpu_sc as plsc

N = 16384
C = 1000
NC = 2
NS = 16
NW = NC * NS
COLS_PER_W = N // NW
BLK = 128
NBLK = COLS_PER_W // BLK
L = 16
GRP = BLK // L


def _sc_one_hot_t(x_hbm, z_hbm, out_hbm, buf, xv, semz, semx, semo):
    wid = lax.axis_index("s") * NC + lax.axis_index("c")
    base = wid * COLS_PER_W

    cpz = pltpu.make_async_copy(z_hbm, buf, semz)
    cpz.start()
    cpx = pltpu.make_async_copy(x_hbm.at[pl.ds(base, COLS_PER_W)], xv, semx)
    cpx.start()
    cpx.wait()
    cpz.wait()

    lane = lax.iota(jnp.int32, L)
    ones = jnp.ones((L,), jnp.float32)
    zeros = jnp.zeros((L,), jnp.float32)

    def scatter_slab(b, vals):
        def group(g, _):
            rows = xv[pl.ds(b * BLK + g * L, L)]
            plsc.store_scatter(buf, [rows, g * L + lane], vals)
            return _

        lax.fori_loop(0, GRP, group, None)

    def slab(b, _):
        scatter_slab(b, ones)
        cp = pltpu.make_async_copy(
            buf, out_hbm.at[:, pl.ds(base + b * BLK, BLK)], semo
        )
        cp.start()
        cp.wait()
        scatter_slab(b, zeros)
        return _

    lax.fori_loop(0, NBLK, slab, None)


@jax.jit
def kernel(x):
    mesh = plsc.VectorSubcoreMesh(core_axis_name="c", subcore_axis_name="s")
    call = functools.partial(
        pl.kernel,
        out_type=jax.ShapeDtypeStruct((C, N), jnp.float32),
        mesh=mesh,
        compiler_params=pltpu.CompilerParams(needs_layout_passes=False),
        scratch_types=[
            pltpu.VMEM((C, BLK), jnp.float32),
            pltpu.VMEM((COLS_PER_W,), jnp.int32),
            pltpu.SemaphoreType.DMA,
            pltpu.SemaphoreType.DMA,
            pltpu.SemaphoreType.DMA,
        ],
    )(_sc_one_hot_t)
    z = jnp.zeros((C, BLK), jnp.float32)
    out_t = call(x.astype(jnp.int32), z)
    return out_t.T

# --- scband reference (transcript-rebuilt; emitter-appended) ---
"""Pipeline reference for scband-one-hot-28638841930160 (READ-ONLY COPY).

The authoritative reference and input builder live on the scoring server;
editing this copy changes nothing except your own understanding.
"""

import jax, jax.numpy as jnp
import numpy as np

NUM_CLASSES = 1000

def setup_inputs(seed: int = 0) -> dict:
    key = jax.random.key(seed)
    x = jax.random.randint(key, (16384,), 0, NUM_CLASSES, dtype=jnp.int64 if jax.config.jax_enable_x64 else jnp.int32)
    return {"x": x}

def reference(x):
    # Faithful translation of F.one_hot(x, num_classes).to(torch.float32)
    out = jax.nn.one_hot(x, NUM_CLASSES, dtype=jnp.float32)
    return out

if __name__ == "__main__":
    import jax
    _d = setup_inputs()
    print(jax.jit(kernel)(*tuple(_d.values())))

</pallas_src>

<mosaic_0001>
#map = affine_map<(d0, d1) -> (0)>
#map1 = affine_map<(d0, d1) -> (0, 0)>
module attributes {stable_mosaic.version = 14 : i64} {
  func.func @_sc_one_hot_t(%arg0: i32, %arg1: i32, %arg2: memref<16384xi32, #tpu.memory_space<hbm>>, %arg3: memref<1000x128xf32, #tpu.memory_space<hbm>>, %arg4: memref<1000x16384xf32, #tpu.memory_space<hbm>>, %arg5: memref<1000x128xf32, #tpu.memory_space<vmem>>, %arg6: memref<512xi32, #tpu.memory_space<vmem>>, %arg7: memref<!tpu.dma_semaphore, #tpu.memory_space<semaphore_mem>>, %arg8: memref<!tpu.dma_semaphore, #tpu.memory_space<semaphore_mem>>, %arg9: memref<!tpu.dma_semaphore, #tpu.memory_space<semaphore_mem>>) attributes {dimension_semantics = [#tpu.dimension_semantics<core_parallel>, #tpu.dimension_semantics<subcore_parallel>], iteration_bounds = array<i64: 2, 16>, scalar_prefetch = 0 : i64, scratch_operands = 5 : i64, tpu.core_type = #tpu.core_type<sc_vector_subcore>, window_params = [{transform_indices = #map}, {transform_indices = #map1}, {transform_indices = #map1}]} {
    %mul3A = arith.constant 2 : i32
    %mul3A_0 = arith.muli %arg1, %mul3A : i32
    %add3A = arith.addi %mul3A_0, %arg0 : i32
    %mul3A_1 = arith.constant 512 : i32
    %mul3A_2 = arith.muli %add3A, %mul3A_1 : i32
    tpu.enqueue_dma source(%arg3 : memref<1000x128xf32, #tpu.memory_space<hbm>>) target(%arg5 : memref<1000x128xf32, #tpu.memory_space<vmem>>) target_semaphore(%arg7 : memref<!tpu.dma_semaphore, #tpu.memory_space<semaphore_mem>>)
    %dma_start3A = tpu.memref_slice %arg2[%mul3A_2] : memref<16384xi32, #tpu.memory_space<hbm>> -> memref<512xi32, #tpu.memory_space<hbm>>
    %dma_start3A_3 = tpu.memref_slice %arg2[%mul3A_2] : memref<16384xi32, #tpu.memory_space<hbm>> -> memref<512xi32, #tpu.memory_space<hbm>>
    tpu.enqueue_dma source(%dma_start3A_3 : memref<512xi32, #tpu.memory_space<hbm>>) target(%arg6 : memref<512xi32, #tpu.memory_space<vmem>>) target_semaphore(%arg8 : memref<!tpu.dma_semaphore, #tpu.memory_space<semaphore_mem>>)
    %dma_wait3A = tpu.memref_slice %arg2[%mul3A_2] : memref<16384xi32, #tpu.memory_space<hbm>> -> memref<512xi32, #tpu.memory_space<hbm>>
    %dma_wait3A_4 = tpu.memref_slice %arg2[%mul3A_2] : memref<16384xi32, #tpu.memory_space<hbm>> -> memref<512xi32, #tpu.memory_space<hbm>>
    tpu.wait_dma2 semaphore(%arg8 : memref<!tpu.dma_semaphore, #tpu.memory_space<semaphore_mem>>) src(%dma_wait3A_4 : memref<512xi32, #tpu.memory_space<hbm>>) dst(%arg6 : memref<512xi32, #tpu.memory_space<vmem>>)
    tpu.wait_dma2 semaphore(%arg7 : memref<!tpu.dma_semaphore, #tpu.memory_space<semaphore_mem>>) src(%arg3 : memref<1000x128xf32, #tpu.memory_space<hbm>>) dst(%arg5 : memref<1000x128xf32, #tpu.memory_space<vmem>>)
    %iota3A = tpu.iota {dimensions = array<i32: 0>} : vector<16xi32>
    %broadcast_in_dim3A = arith.constant 1.000000e+00 : f32
    %broadcast_in_dim3A_5 = vector.broadcast %broadcast_in_dim3A : f32 to vector<16xf32>
    %broadcast_in_dim3A_6 = arith.constant 0.000000e+00 : f32
    %broadcast_in_dim3A_7 = vector.broadcast %broadcast_in_dim3A_6 : f32 to vector<16xf32>
    %scan3A = arith.constant 0 : i32
    %scan3A_8 = arith.constant 4 : i32
    %scan3A_9 = arith.addi %scan3A, %scan3A_8 : i32
    %scan3A_10 = arith.constant 1 : i32
    scf.for %scan3A_12 = %scan3A to %scan3A_9 step %scan3A_10  : i32 {
      %scan3A_13 = arith.constant 0 : i32
      %scan3A_14 = arith.constant 8 : i32
      %scan3A_15 = arith.addi %scan3A_13, %scan3A_14 : i32
      %scan3A_16 = arith.constant 1 : i32
      scf.for %scan3A_34 = %scan3A_13 to %scan3A_15 step %scan3A_16  : i32 {
        %mul3A_35 = arith.constant 128 : i32
        %mul3A_36 = arith.muli %scan3A_12, %mul3A_35 : i32
        %mul3A_37 = arith.constant 16 : i32
        %mul3A_38 = arith.muli %scan3A_34, %mul3A_37 : i32
        %add3A_39 = arith.addi %mul3A_36, %mul3A_38 : i32
        %get3A = arith.index_cast %add3A_39 : i32 to index
        %get3A_40 = tpu.vector_load %arg6[%get3A] {strides = array<i32>} : memref<512xi32, #tpu.memory_space<vmem>>, vector<16xi32>,
        %mul3A_41 = arith.constant 16 : i32
        %mul3A_42 = arith.muli %scan3A_34, %mul3A_41 : i32
        %add3A_43 = vector.broadcast %mul3A_42 : i32 to vector<16xi32>
        %add3A_44 = arith.addi %add3A_43, %iota3A : vector<16xi32>
        tpu.vector_store_idx %arg5[%get3A_40, %add3A_44], %broadcast_in_dim3A_5 : memref<1000x128xf32, #tpu.memory_space<vmem>>[vector<16xi32>, vector<16xi32>], vector<16xf32>,
      }
      %scan3A_17 = arith.constant 8 : i32
      %mul3A_18 = arith.constant 128 : i32
      %mul3A_19 = arith.muli %scan3A_12, %mul3A_18 : i32
      %add3A_20 = arith.addi %mul3A_2, %mul3A_19 : i32
      %dma_start3A_21 = arith.constant 0 : i32
      %dma_start3A_22 = tpu.memref_slice %arg4[%dma_start3A_21, %add3A_20] : memref<1000x16384xf32, #tpu.memory_space<hbm>> -> memref<1000x128xf32, #tpu.memory_space<hbm>>
      %dma_start3A_23 = arith.constant 0 : i32
      %dma_start3A_24 = tpu.memref_slice %arg4[%dma_start3A_23, %add3A_20] : memref<1000x16384xf32, #tpu.memory_space<hbm>> -> memref<1000x128xf32, #tpu.memory_space<hbm>>
      tpu.enqueue_dma source(%arg5 : memref<1000x128xf32, #tpu.memory_space<vmem>>) target(%dma_start3A_24 : memref<1000x128xf32, #tpu.memory_space<hbm>>) target_semaphore(%arg9 : memref<!tpu.dma_semaphore, #tpu.memory_space<semaphore_mem>>)
      %dma_wait3A_25 = arith.constant 0 : i32
      %dma_wait3A_26 = tpu.memref_slice %arg4[%dma_wait3A_25, %add3A_20] : memref<1000x16384xf32, #tpu.memory_space<hbm>> -> memref<1000x128xf32, #tpu.memory_space<hbm>>
      %dma_wait3A_27 = arith.constant 0 : i32
      %dma_wait3A_28 = tpu.memref_slice %arg4[%dma_wait3A_27, %add3A_20] : memref<1000x16384xf32, #tpu.memory_space<hbm>> -> memref<1000x128xf32, #tpu.memory_space<hbm>>
      tpu.wait_dma2 semaphore(%arg9 : memref<!tpu.dma_semaphore, #tpu.memory_space<semaphore_mem>>) src(%arg5 : memref<1000x128xf32, #tpu.memory_space<vmem>>) dst(%dma_wait3A_28 : memref<1000x128xf32, #tpu.memory_space<hbm>>)
      %scan3A_29 = arith.constant 0 : i32
      %scan3A_30 = arith.constant 8 : i32
      %scan3A_31 = arith.addi %scan3A_29, %scan3A_30 : i32
      %scan3A_32 = arith.constant 1 : i32
      scf.for %scan3A_34 = %scan3A_29 to %scan3A_31 step %scan3A_32  : i32 {
        %mul3A_35 = arith.constant 128 : i32
        %mul3A_36 = arith.muli %scan3A_12, %mul3A_35 : i32
        %mul3A_37 = arith.constant 16 : i32
        %mul3A_38 = arith.muli %scan3A_34, %mul3A_37 : i32
        %add3A_39 = arith.addi %mul3A_36, %mul3A_38 : i32
        %get3A = arith.index_cast %add3A_39 : i32 to index
        %get3A_40 = tpu.vector_load %arg6[%get3A] {strides = array<i32>} : memref<512xi32, #tpu.memory_space<vmem>>, vector<16xi32>,
        %mul3A_41 = arith.constant 16 : i32
        %mul3A_42 = arith.muli %scan3A_34, %mul3A_41 : i32
        %add3A_43 = vector.broadcast %mul3A_42 : i32 to vector<16xi32>
        %add3A_44 = arith.addi %add3A_43, %iota3A : vector<16xi32>
        tpu.vector_store_idx %arg5[%get3A_40, %add3A_44], %broadcast_in_dim3A_7 : memref<1000x128xf32, #tpu.memory_space<vmem>>[vector<16xi32>, vector<16xi32>], vector<16xf32>,
      }
      %scan3A_33 = arith.constant 8 : i32
    }
    %scan3A_11 = arith.constant 4 : i32
    return
  }
}

</mosaic_0001>

<sc_bundles>
// kernel: kernel.3.cloned.1.call-start
scs
__scs_entry_jumppad:
0x0: {  	(pc) =	sbr.rel $0x88, $3  }
0x1: {  	(tag) =	ssettag $0x0;
	lr =	simm.s32 $0x1  }
0x2: {  	[smem:$0x3FA0] =	sst lr;
	_ =	strace $0xD0000000  }
0x3: {  	_ = 	snop  }
0x4: {  	_ = 	snop  }
0x5: {  	_ = 	snop  }
0x6: {  	_ = 	snop  }
0x7: {  	_ = 	snop  }
__scs_overlays_trampoline_lowered:
0x8: {  	[smem:$0x3FAF] =	sst s0  }
0x9: {  	[smem:$0x3FB0] =	sst s1  }
0xa: {  	[smem:$0x3FB1] =	sst s2  }
0xb: {  	[smem:$0x3FB2] =	sst s3  }
0xc: {  	[smem:$0x3FB3] =	sst s4  }
0xd: {  	[smem:$0x3FB4] =	sst s5  }
0xe: {  	[smem:$0x3FB5] =	sst s6  }
0xf: {  	[smem:$0x3FB6] =	sst s7  }
0x10: {  	[smem:$0x3FB7] =	sst s8  }
0x11: {  	[smem:$0x3FB8] =	sst s9;
	s0 =	simm.s32 @!p0 $0x0  }
0x12: {  	s1 =	sld [smem:$0x3F9E];
	s0 =	simm.s32 @p0 $0x1  }
0x13: {  	[smem:$0x3FB9] =	sst s0;
	s0 =	simm.s32 @!p1 $0x0  }
0x14: {  	s2 =	sld [smem:$0x3F9D];
	s0 =	simm.s32 @p1 $0x1  }
0x15: {  	[smem:$0x3FBA] =	sst s0;
	s0 =	simm.s32 @!p2 $0x0  }
0x16: {  	s3 =	sld [smem:$0x3FDB];
	s0 =	simm.s32 @p2 $0x1  }
0x17: {  	s4 =	simm.s32 $0x1BF5;
	[smem:$0x3FBC] =	sst s0  }
0x18: {  	s0 =	sld [smem:$0x3F9F];
	_ =	swait.ge [sflag:s4], $0x0  }
0x19: {  	s7 =	sld [smem:$0x3FA0]  }
0x1a: {  	s8 =	sadd.s32 $0xFFFFE003, lr  }
0x1b: {  	s9 =	sadd.s32 $0xFFFFFEF7, lr;
	s5 =	simm.s32 $0xFFFFFFFF;
	p2 =	slt.u32 s8, $0xFFFFF086  }
0x1c: {  	p1 =	slt.u32 s9, $0xF7A;
	s5 =	simm.s32 @!p2 $0x0  }
0x1d: {  	s5 =	simm.s32 @p1 $0x1;
	p0 =	seq.s32 s7, s2  }
0x1e: {  	s7 =	smul.u32 @!p0 $0xF7A, s2;
	p2 =	seq.s32 @!p0 s5, $0x0  }
0x1f: {  	s9 =	smul.u32 $0xF7A, s1;
	s8 =	simm.s32 @!p0 $0x1BF5;
	p2 =	por !p2, p0  }
0x20: {  	[sflag:s8] =	ssyncset.s32 @!p0 $0xFFFFF086;
	s6 =	sadd.s32 @!p0 s3, s7;
	s7 =	simm.s32 @!p0 $0x108  }
0x21: {  	s3 =	sadd.s32 s3, s9;
	s6 =	sadd.s32 @!p0 $0x88, s6;
	s7 =	simm.s32 @p2 $0x1082  }
0x22: {  	[simem:s7], [sflag:s8] =	dma.local @!p0 [hbm:s6], $0xF7A  }
0x23: {  	s9 =	sor.u32 $0xD0000000, s2;
	s6 =	simm.s32 $0x108;
	_ =	swait.ge @!p0 [sflag:s8], $0x0  }
0x24: {  	s3 =	sadd.s32 $0x88, s3;
	s6 =	simm.s32 @!p1 $0x1082;
	[sflag:s4] =	ssyncset.s32 $0xFFFFF086  }
0x25: {  	[simem:s6], [sflag:s4] =	dma.local [hbm:s3], $0xF7A  }
0x26: {  	[smem:$0x3FA0] =	sst s1;
	(tag) =	ssettag s2;
	_ =	strace s9  }
0x27: {  	s1 =	sld [smem:$0x3FB0]  }
0x28: {  	s2 =	sld [smem:$0x3FB1]  }
0x29: {  	s4 =	sld [smem:$0x3FB3]  }
0x2a: {  	p0 =	seq.s32 s5, $0x0;
	s5 =	sld [smem:$0x3FB4]  }
0x2b: {  	s6 =	sld [smem:$0x3FB5]  }
0x2c: {  	s7 =	sld [smem:$0x3FB6]  }
0x2d: {  	s3 =	simm.s32 $0x108;
	s8 =	sld [smem:$0x3FB7]  }
0x2e: {  	s3 =	simm.s32 @!p0 $0x1082;
	s9 =	sld [smem:$0x3FB8]  }
0x2f: {  	lr =	sadd.s32 s0, s3;
	s0 =	sld [smem:$0x3FAF]  }
0x30: {  	s3 =	sld [smem:$0x3FB2]  }
0x31: {  	[smem:$0x3FBB] =	sst s10  }
0x32: {  	s10 =	sld [smem:$0x3FB9];
	_ =	sdelay $0x3  }
0x33: {  	p0 =	seq.s32 s10, $0x1;
	s10 =	sld [smem:$0x3FBB];
	_ =	sdelay $0x3  }
0x34: {  	[smem:$0x3FBB] =	sst s10  }
0x35: {  	s10 =	sld [smem:$0x3FBA];
	_ =	sdelay $0x3  }
0x36: {  	p1 =	seq.s32 s10, $0x1;
	s10 =	sld [smem:$0x3FBB];
	_ =	sdelay $0x3  }
0x37: {  	[smem:$0x3FBB] =	sst s10  }
0x38: {  	s10 =	sld [smem:$0x3FBC]  }
0x39: {  	_ = 	snop;
	(pc) =	sbr.ind lr, $3  }
0x3a: {  	_ = 	snop  }
0x3b: {  	_ = 	snop  }
0x3c: {  	p2 =	seq.s32 s10, $0x1;
	s10 =	sld [smem:$0x3FBB]  }
0x3d: {  	_ =	shalt  }
0x3e: {  	_ =	shalt  }
0x3f: {  	_ =	shalt  }
0x40: {  	_ =	shalt  }
0x41: {  	_ =	shalt  }
0x42: {  	_ =	shalt  }
0x43: {  	_ =	shalt  }
0x44: {  	_ =	shalt  }
0x45: {  	_ =	shalt  }
0x46: {  	_ =	shalt  }
0x47: {  	_ =	shalt  }
0x48: {  	_ =	shalt  }
0x49: {  	_ =	shalt  }
0x4a: {  	_ =	shalt  }
0x4b: {  	_ =	shalt  }
0x4c: {  	_ =	shalt  }
0x4d: {  	_ =	shalt  }
0x4e: {  	_ =	shalt  }
0x4f: {  	_ =	shalt  }
0x50: {  	_ =	shalt  }
0x51: {  	_ =	shalt  }
0x52: {  	_ =	shalt  }
0x53: {  	_ =	shalt  }
0x54: {  	_ =	shalt  }
0x55: {  	_ =	shalt  }
0x56: {  	_ =	shalt  }
0x57: {  	_ =	shalt  }
0x58: {  	_ =	shalt  }
0x59: {  	_ =	shalt  }
0x5a: {  	_ =	shalt  }
0x5b: {  	_ =	shalt  }
0x5c: {  	_ =	shalt  }
0x5d: {  	_ =	shalt  }
0x5e: {  	_ =	shalt  }
0x5f: {  	_ =	shalt  }
0x60: {  	_ =	shalt  }
0x61: {  	_ =	shalt  }
0x62: {  	_ =	shalt  }
0x63: {  	_ =	shalt  }
0x64: {  	_ =	shalt  }
0x65: {  	_ =	shalt  }
0x66: {  	_ =	shalt  }
0x67: {  	_ =	shalt  }
0x68: {  	_ =	shalt  }
0x69: {  	_ =	shalt  }
0x6a: {  	_ =	shalt  }
0x6b: {  	_ =	shalt  }
0x6c: {  	_ =	shalt  }
0x6d: {  	_ =	shalt  }
0x6e: {  	_ =	shalt  }
0x6f: {  	_ =	shalt  }
0x70: {  	_ =	shalt  }
0x71: {  	_ =	shalt  }
0x72: {  	_ =	shalt  }
0x73: {  	_ =	shalt  }
0x74: {  	_ =	shalt  }
0x75: {  	_ =	shalt  }
0x76: {  	_ =	shalt  }
0x77: {  	_ =	shalt  }
0x78: {  	_ =	shalt  }
0x79: {  	_ =	shalt  }
0x7a: {  	_ =	shalt  }
0x7b: {  	_ =	shalt  }
0x7c: {  	_ =	shalt  }
0x7d: {  	_ =	shalt  }
0x7e: {  	_ =	shalt  }
0x7f: {  	_ =	shalt  }
0x80: {  	_ =	shalt  }
0x81: {  	_ =	shalt  }
0x82: {  	_ =	shalt  }
0x83: {  	_ =	shalt  }
0x84: {  	_ =	shalt  }
0x85: {  	_ =	shalt  }
0x86: {  	_ =	shalt  }
0x87: {  	_ =	shalt  }
.Lfunc_end0:
.L_simem_size_0:
called_computation_lowered:
.L_overlay_start_0:
0x88: {  	s2 =	sld [smem:$0x3FD9]  }
0x89: {  	s3 =	sld [smem:$0x3FFE];
	_ =	sdelay $0x1  }
0x8a: {  	s1 =	srdreg.scid  }
0x8b: {  	s0 =	sand.u32 $0x1, s1  }
0x8c: {  	s17 =	sshll.u32 s0, $0xA;
	s2 =	sadd.s32 s3, s2  }
0x8d: {  	s2 =	sadd.s32 s2, s17  }
0x8e: {  	[smem:$0x3FC7] =	sst s2  }
0x8f: {  	_ = 	snop  }
0x90: {  	s2 =	sld [smem:$0x3FC9]  }
0x91: {  	s18 =	sld [smem:$0x3FD0];
	(tm) =	ssettm $0x1  }
0x92: {  	s4 =	sld [smem:$0x3FFB];
	_ =	sdelay $0x3  }
0x93: {  	_ =	strace s4  }
0x94: {  	s4 =	sld [smem:$0x3FFC];
	_ =	sdelay $0x3  }
0x95: {  	_ =	strace s4  }
0x96: {  	s4 =	sld [smem:$0x3FFD];
	_ =	sdelay $0x3  }
0x97: {  	_ =	strace s4  }
0x98: {  	_ =	strace $0x8FFFFFFF  }
0x99: {  	s19 =	sld [smem:$0x3FDB];
	_ =	sdelay $0x1  }
0x9a: {  	s5 =	simm.s32 $_scs_section_size  }
0x9b: {  	s6 =	simm.s32 $_size__tile_overlayer_lowered;
	s7 =	simm.s32 $_tile_overlayer_lowered  }
0x9c: {  	s22 =	simm.s32 $0x1BFF;
	s21 =	sshll.u32 s7, $0x1;
	s4 =	sadd.s32 s5, s19  }
0x9d: {  	s8 =	simm.s32 $0x0;
	s20 =	sshll.u32 s6, $0x1;
	s6 =	sadd.s32 s21, s4  }
0x9e: {  	[timem:s8], [sflag:s22] =	dma.local [hbm:s6], s20  }
0x9f: {  	_ =	swait.ge [sflag:s22], s20  }
0xa0: {  	s5 =	ssub.s32 $0x0, s20;
	[sflag:s22] =	ssyncset.done $0x0  }
0xa1: {  	[sflag:s22] =	ssyncadd.s32 s5;
	_ =	sdelay $0x1  }
0xa2: {  	s23 =	simm.s32 $0x1B8B  }
0xa3: {  	_ =	swait.ge [sflag:s23], $0x1  }
0xa4: {  	[sflag:s23] =	ssyncset.done $0x0  }
0xa5: {  	s25 =	simm.s32 $0x1B8E;
	s24 =	sld [smem:$0x3FFE];
	[sflag:s23] =	ssyncadd.s32 $0xFFFFFFFF  }
0xa6: {  	s26 =	simm.s32 $execute0_lowered;
	[smem:$0x3FD2] =	sst s25  }
0xa7: {  	s6 =	sshll.u32 s26, $0x1;
	_ =	strace $0x80000046;
	[dreg:$0x1] =	wrdreg $0xFFFFFFFF  }
0xa8: {  	s28 =	simm.s32 $_size_execute0_lowered;
	s4 =	sadd.s32 s4, s6;
	[dreg:$0x0] =	wrdreg $0x0  }
0xa9: {  	s6 =	sshll.u32 s28, $0x1;
	[dreg:$0x2] =	wrdreg s4  }
0xaa: {  	[dreg:$0x3] =	wrdreg s6  }
0xab: {  	[dreg:$0x4] =	wrdreg $0xC0  }
0xac: {  	_ =	task [dreg:s8], $0x5FFFF  }
0xad: {  	[dreg:$0x1] =	wrdreg $0xFFFFFFFF  }
0xae: {  	[dreg:$0x0] =	wrdreg $0x60  }
0xaf: {  	[dreg:$0x2] =	wrdreg s2  }
0xb0: {  	[dreg:$0x3] =	wrdreg s24  }
0xb1: {  	[dreg:$0x4] =	wrdreg s18  }
0xb2: {  	[dreg:$0x5] =	wrdreg $0x9  }
0xb3: {  	_ =	task.clear_ibuf [dreg:s8], $0x6FFFF;
	_ =	strace $0x90000046  }
0xb4: {  	s29 =	simm.s32 $0x9;
	_ =	strace $0x80000048  }
0xb5: {  	_ =	swait.ge [sflag:s29], $0x1  }
0xb6: {  	[sflag:s29] =	ssyncadd.s32 $0xFFFFFFFF  }
0xb7: {  	_ =	strace $0x90000048  }
0xb8: {  	_ =	sfence  }
0xb9: {  	s30 =	sld [smem:$0x0];
	_ =	sdelay $0x2  }
0xba: {  	s31 =	sshll.u32 s1, $0xD;
	s1 =	sshrl.u32 s1, $0x2  }
0xbb: {  	s3 =	sand.u32 $0x4000, s31;
	s1 =	sadd.s32 s1, s30  }
0xbc: {  	s0 =	sor.u32 s3, s0;
	s1 =	sshll.u32 s1, $0x11  }
0xbd: {  	s0 =	sor.u32 s1, s0  }
0xbe: {  	s0 =	sadd.s32 $0x8F2B, s0  }
0xbf: {  	[sflag:s0] =	ssyncadd.remote.s32 $0x1  }
0xc0: {  	_ =	sfence.sel $0xFFFF  }
0xc1: {  	[dreg:$0x0] =	wrdreg $0xFFFFFFFF;
	(pc) =	sbr.abs _section_cstart, $3  }
0xc2: {  	[dreg:$0x1] =	wrdreg $0xFFFFFFFF  }
0xc3: {  	_ =	task.clear_ibuf [dreg:s8], $0x2FFFF;
	_ =	strace $0x9FFFFFFF  }
0xc4: {  	(tm) =	ssettm $0x7FFFFFFF  }
0xc5: {  	_ =	shalt  }
tec
execute0_lowered:
.L_overlay_start_1:
0x0: {  	(tag) =	ssettag $0x1  }
0x1: {  	s4 =	rddreg [dreg:$0x0]  }
0x2: {  	s3 =	rddreg [dreg:$0x1]  }
0x3: {  	s5 =	rddreg [dreg:$0x2]  }
0x4: {  	s0 =	rddreg [dreg:$0x3];
	s2 =	simm.s32 $0x0;
	s6 =	srdreg.scid  }
0x5: {  	s1 =	stileid.u32;
	s10 =	simm.s32 $0x20000;
	s11 =	simm.s32 $0x3  }
0x6: {  	s12 =	simm.s32 $0x0;
	[smem:$0x7FF] =	sst s2;
	s6 =	sand.u32 $0x1, s6  }
0x7: {  	s8 =	sshll.u32 s1, $0xA;
	s7 =	ssub.s32 $0x2, s6;
	s6 =	sshll.u32 s6, $0x9  }
0x8: {  	s3 =	sadd.s32 $0x400, s3;
	s9 =	sshrl.u32 s7, $0x1;
	s6 =	sor.u32 s6, s8  }
0x9: {  	_ =	strace $0x80000047;
	s7 =	ssub.s32 s7, s9;
	s8 =	sshrl.u32 s6, $0x3  }
0xa: {  	s5 =	sadd.s32 s5, s6;
	s9 =	simm.s32 $0x400;
	s4 =	sadd.s32 s4, s8  }
0xb: {  	v0 =	vlaneseq.u32;
	v1 =	vimm.f32 $1.000000000e+00;
	v2 =	vimm.f32 $0.0e+00;
	s6 =	smax.u32 s7, $0x1;
	s7 =	simm.s32 $0x2;
	s8 =	simm.s32 $0x1  }
.LBB2_1:
0xc: {  	[tilespmem:s2], [sflag:$0x1] =	stream.linear.gather [hbm4b:s3+s2], $0x1F400, $0x38;
	[tilespmem:$0x1F600] =	vst v63  }
0xd: {  	s13 =	simm.s32 $0x1F400  }
0xe: {  	[tilespmem:s13], [sflag:$0x2] =	stream.linear.gather [hbm4b:s4+s2], $0x200, $0x38;
	[tilespmem:$0x1F600] =	vst v63  }
0xf: {  	_ =	swait.ge [sflag:s7], $0x200  }
0x10: {  	[sflag:s7] =	ssyncset.done $0x0  }
0x11: {  	[sflag:s7] =	ssyncadd.s32 $0xFFFFFE00  }
0x12: {  	_ =	swait.ge [sflag:s8], $0x1F400  }
0x13: {  	[sflag:s8] =	ssyncset.done $0x0  }
0x14: {  	s14 =	simm.s32 $0x0;
	[sflag:s8] =	ssyncadd.s32 $0xFFFE0C00  }
.LBB2_2:
0x15: {  	s15 =	simm.s32 $0x0;
	v3 =	vld [tilespmem:s13+$0x0];
	s16 =	simm.s32 $0x10;
	s17 =	smov.u32 s13  }
.LBB2_3:
0x16: {  	p0 =	sne.s32 s16, $0x70;
	_ =	sdelay $0x3  }
0x17: {  	v3 =	vshll.u32 v3, $0x7  }
0x18: {  	v3 =	vadd.s32 s15, v3;
	s15 =	smov.u32 s16  }
0x19: {  	v3 =	vadd.s32 v0, v3;
	_ =	sdelay $0x1  }
.Ltmp0:
0x1a: {  	(pc) =	sbr.rel @p0 .LBB2_3-.Ltmp0, $3  }
0x1b: {  	_ =	sdelay $0x1  }
0x1c: {  	s17 =	sadd.s32 $0x10, s17;
	[tilespmem:v3+s2+$0x0] =	vst.idx.msk $0xffff, v1  }
0x1d: {  	s16 =	sadd.s32 $0x10, s16;
	v3 =	vld [tilespmem:s17+$0x0]  }
0x1e: {  	_ =	sdelay $0x3  }
0x1f: {  	v3 =	vshll.u32 v3, $0x7  }
0x20: {  	v3 =	vadd.s32 s15, v3  }
0x21: {  	v3 =	vadd.s32 v0, v3;
	_ =	sdelay $0x3  }
0x22: {  	s31 =	sshll.u32 s14, $0x7  }
0x23: {  	s16 =	sadd.s32 s31, s5;
	s15 =	simm.s32 $0x0;
	[tilespmem:v3+s2+$0x0] =	vst.idx.msk $0xffff, v1  }
0x24: {  	[hbm4b:s16+s9] =	stream.strided.scatter [tilespmem:s15], [sflag:$0x3], $0x1F400, s10, s9, $0x38;
	[tilespmem:$0x1F600] =	vst v63  }
0x25: {  	_ =	swait.ge [sflag:s11], $0x1F400  }
0x26: {  	[sflag:s11] =	ssyncset.done $0x0  }
0x27: {  	[sflag:s11] =	ssyncadd.s32 $0xFFFE0C00  }
0x28: {  	s17 =	smov.u32 s13;
	s16 =	simm.s32 $0x10;
	v3 =	vld [tilespmem:s13+$0x0]  }
.LBB2_5:
0x29: {  	p0 =	sne.s32 s16, $0x70;
	_ =	sdelay $0x3  }
0x2a: {  	v3 =	vshll.u32 v3, $0x7  }
0x2b: {  	v3 =	vadd.s32 s15, v3;
	s15 =	smov.u32 s16  }
0x2c: {  	v3 =	vadd.s32 v0, v3;
	_ =	sdelay $0x1  }
.Ltmp1:
0x2d: {  	(pc) =	sbr.rel @p0 .LBB2_5-.Ltmp1, $3  }
0x2e: {  	_ =	sdelay $0x1  }
0x2f: {  	s17 =	sadd.s32 $0x10, s17;
	[tilespmem:v3+s2+$0x0] =	vst.idx.msk $0xffff, v2  }
0x30: {  	s16 =	sadd.s32 $0x10, s16;
	v3 =	vld [tilespmem:s17+$0x0]  }
0x31: {  	_ =	sdelay $0x3  }
0x32: {  	v3 =	vshll.u32 v3, $0x7  }
0x33: {  	s14 =	sadd.s32 $0x1, s14;
	v3 =	vadd.s32 s15, v3  }
0x34: {  	p0 =	sne.s32 s14, $0x4;
	v3 =	vadd.s32 v0, v3  }
.Ltmp2:
0x35: {  	_ = 	snop;
	(pc) =	sbr.rel @p0 .LBB2_2-.Ltmp2, $2  }
0x36: {  	_ =	sdelay $0x2  }
0x37: {  	s13 =	sadd.s32 $0x80, s13;
	[tilespmem:v3+s2+$0x0] =	vst.idx.msk $0xffff, v2  }
0x38: {  	s12 =	sadd.s32 $0x1, s12  }
0x39: {  	p0 =	sne.s32 s12, s6  }
.Ltmp3:
0x3a: {  	_ = 	snop;
	(pc) =	sbr.rel @p0 .LBB2_1-.Ltmp3, $1  }
0x3b: {  	_ =	sdelay $0x3  }
0x3c: {  	_ =	sfence.sel $0x180000  }
0x3d: {  	[bflag:$0x0] =	sbarrier.arrive $0xFFFF  }
0x3e: {  	p0 =	sne.s32 s1, $0x0;
	_ =	strace $0x90000047  }
0x3f: {  	s0 =	sadd.s32 @!p0 $0x100000, s0;
	[bflag:$0x2] =	sbarrier.arrive $0xFFFF  }
0x40: {  	[sflag:s0] =	ssyncadd.tile.s32 @!p0 $0x1;
	_ =	shalt  }
.Lfunc_end2:
_tile_overlayer_lowered:
.L_overlay_start_2:
0x41: {  	(tag) =	ssettag $0x2  }
0x42: {  	s0 =	rddreg [dreg:$0x0];
	s2 =	stileid.u32  }
0x43: {  	s1 =	rddreg [dreg:$0x1];
	p0 =	sne.s32 s2, $0x0  }
0x44: {  	s3 =	rddreg [dreg:$0x2];
	[bflag:$0x3] =	sbarrier.arrive $0xFFFF;
	s2 =	simm.s32 @!p0 $0x1C04  }
0x45: {  	[timem:s3], [sflag:s2] =	dma.local @!p0 [hbm:s0], s1  }
0x46: {  	s0 =	simm.s32 @!p0 $0x4  }
0x47: {  	_ =	swait.ge @!p0 [sflag:s0], s1  }
0x48: {  	s1 =	ssub.s32 @!p0 $0x0, s1;
	[sflag:s0] =	ssyncset.done @!p0 $0x0  }
0x49: {  	[sflag:s0] =	ssyncadd.s32 @!p0 s1  }
0x4a: {  	[bflag:$0x3] =	sbarrier.arrive $0xFFFF  }
0x4b: {  	_ =	shalt  }

</sc_bundles>
